<compile_context>
chip_gen: v7x
topology: tpu7x:2x2x1
jax: 0.10.2.dev20260603
libtpu: 0.0.44.dev20260713+nightly
codegen_flags: <defaults>
</compile_context>

<pallas_src>
import jax
import jax.numpy as jnp
from jax import lax
from jax.experimental import pallas as pl
from jax.experimental.pallas import tpu as pltpu
from jax.experimental.pallas import tpu_sc as plsc

_ROWS = 2048
_COLS = 2048
_P_SC = 256
_R_TC = _ROWS - _P_SC
_NW = 32
_ROWS_W = _P_SC // _NW
_CR = 8
_NCHUNK = _ROWS_W // _CR
_L = 16
_VPC = _CR * _COLS // _L

_STEP = 1.0 / 62.0

_BR = 896
_BRM = 128

assert _R_TC % _BR == 0, "TC grid must cover all TC rows"
assert _P_SC % _BRM == 0, "merge grid must cover all SC rows"
assert _P_SC % (_NW * _CR) == 0, "SC chunking must cover all SC rows"


def _bucketize(d):
    j = jnp.minimum((d * 62.0).astype(jnp.int32), 61)
    jf = j.astype(jnp.float32)
    b0 = jf * _STEP
    b1 = (jf + 1.0) * _STEP
    return j + jnp.where(d > b0, jnp.where(d > b1, 2, 1), 0)


def _compute_chunk(in_b, out_b):
    @plsc.parallel_loop(0, _VPC, step=1, unroll=8)
    def _(i):
        r = i & 7
        c = (i >> 3) * _L
        out_b[r, pl.ds(c, _L)] = _bucketize(in_b[r, pl.ds(c, _L)])


def _sc_body(dist_hbm, out_hbm, in0, in1, out0, out1, si0, si1, so0, so1):
    c = lax.axis_index("c")
    s = lax.axis_index("s")
    base = (s * 2 + c) * _ROWS_W
    src = _R_TC

    def in_cp(k, buf, sem):
        return pltpu.make_async_copy(
            dist_hbm.at[pl.ds(src + base + k * _CR, _CR), :], buf, sem)

    def out_cp(k, buf, sem):
        return pltpu.make_async_copy(
            buf, out_hbm.at[pl.ds(base + k * _CR, _CR), :], sem)

    if _NCHUNK == 1:
        cp = in_cp(0, in0, si0)
        cp.start()
        cp.wait()
        _compute_chunk(in0, out0)
        ocp = out_cp(0, out0, so0)
        ocp.start()
        ocp.wait()
        return

    in_cp(0, in0, si0).start()
    in_cp(1, in1, si1).start()

    @pl.loop(0, _NCHUNK, step=2)
    def _(k):
        in_cp(k, in0, si0).wait()

        @pl.when(k > 0)
        def _():
            out_cp(k - 2, out0, so0).wait()

        _compute_chunk(in0, out0)
        out_cp(k, out0, so0).start()

        @pl.when(k + 2 < _NCHUNK)
        def _():
            in_cp(k + 2, in0, si0).start()

        in_cp(k + 1, in1, si1).wait()

        @pl.when(k > 0)
        def _():
            out_cp(k - 1, out1, so1).wait()

        _compute_chunk(in1, out1)
        out_cp(k + 1, out1, so1).start()

        @pl.when(k + 3 < _NCHUNK)
        def _():
            in_cp(k + 3, in1, si1).start()

    out_cp(_NCHUNK - 2, out0, so0).wait()
    out_cp(_NCHUNK - 1, out1, so1).wait()


def _tc_kernel(dist_ref, out_ref):
    out_ref[...] = _bucketize(dist_ref[...])


def _tc_merge(sc_ref, alias_ref, out_ref):
    del alias_ref
    out_ref[...] = sc_ref[...]


def kernel(dist, breaks):
    del breaks

    sc_run = pl.kernel(
        _sc_body,
        out_type=jax.ShapeDtypeStruct((_P_SC, _COLS), jnp.int32),
        mesh=plsc.VectorSubcoreMesh(core_axis_name="c", subcore_axis_name="s"),
        scratch_types=[
            pltpu.VMEM((_CR, _COLS), jnp.float32),
            pltpu.VMEM((_CR, _COLS), jnp.float32),
            pltpu.VMEM((_CR, _COLS), jnp.int32),
            pltpu.VMEM((_CR, _COLS), jnp.int32),
            pltpu.SemaphoreType.DMA,
            pltpu.SemaphoreType.DMA,
            pltpu.SemaphoreType.DMA,
            pltpu.SemaphoreType.DMA,
        ],
        compiler_params=pltpu.CompilerParams(use_tc_tiling_on_sc=True),
    )
    out_sc = sc_run(dist)

    out_full = pl.pallas_call(
        _tc_kernel,
        grid=(_R_TC // _BR,),
        in_specs=[pl.BlockSpec((_BR, _COLS), lambda i: (i, 0))],
        out_specs=pl.BlockSpec((_BR, _COLS), lambda i: (i, 0)),
        out_shape=jax.ShapeDtypeStruct((_ROWS, _COLS), jnp.int32),
    )(dist)

    out = pl.pallas_call(
        _tc_merge,
        grid=(_P_SC // _BRM,),
        in_specs=[
            pl.BlockSpec((_BRM, _COLS), lambda i: (i, 0)),
            pl.BlockSpec(memory_space=pl.ANY),
        ],
        out_specs=pl.BlockSpec((_BRM, _COLS), lambda i: (i + _R_TC // _BRM, 0)),
        out_shape=jax.ShapeDtypeStruct((_ROWS, _COLS), jnp.int32),
        input_output_aliases={1: 0},
    )(out_sc, out_full)
    return out

# --- scband reference (transcript-rebuilt; emitter-appended) ---
"""Pipeline reference for scband-val2-bins-50457275793493 (READ-ONLY COPY).

The authoritative reference and input builder live on the scoring server;
editing this copy changes nothing except your own understanding.
"""

import jax, jax.numpy as jnp
import numpy as np

FIRST_BREAK = 0.0
LAST_BREAK = 1.0
NUM_BINS = 64


def setup_inputs(seed: int = 0) -> dict:
    key = jax.random.key(seed)
    dist = jax.random.uniform(key, (2048, 2048), dtype=jnp.float32)
    # buffer: breaks = linspace(first_break, last_break, num_bins - 1)
    breaks = jnp.linspace(FIRST_BREAK, LAST_BREAK, NUM_BINS - 1).astype(jnp.float32)
    return {"dist": dist, "breaks": breaks}


def reference(dist, breaks):
    # dist = dist.unsqueeze(-1); sum(dist > breaks, dim=-1, dtype=long)
    d = dist[..., None]
    dist_bin = jnp.sum(jnp.greater(d, breaks), axis=-1).astype(jnp.int32)
    return dist_bin

if __name__ == "__main__":
    import jax
    _d = setup_inputs()
    print(jax.jit(kernel)(*tuple(_d.values())))

</pallas_src>

<mosaic_0001>
#map = affine_map<(d0, d1) -> (0, 0)>
module attributes {stable_mosaic.version = 14 : i64} {
  func.func @_sc_body(%arg0: i32, %arg1: i32, %arg2: memref<2048x2048xf32, #tpu.memory_space<hbm>>, %arg3: memref<256x2048xi32, #tpu.memory_space<hbm>>, %arg4: memref<8x2048xf32, #tpu.memory_space<vmem>>, %arg5: memref<8x2048xf32, #tpu.memory_space<vmem>>, %arg6: memref<8x2048xi32, #tpu.memory_space<vmem>>, %arg7: memref<8x2048xi32, #tpu.memory_space<vmem>>, %arg8: memref<!tpu.dma_semaphore, #tpu.memory_space<semaphore_mem>>, %arg9: memref<!tpu.dma_semaphore, #tpu.memory_space<semaphore_mem>>, %arg10: memref<!tpu.dma_semaphore, #tpu.memory_space<semaphore_mem>>, %arg11: memref<!tpu.dma_semaphore, #tpu.memory_space<semaphore_mem>>) attributes {dimension_semantics = [#tpu.dimension_semantics<core_parallel>, #tpu.dimension_semantics<subcore_parallel>], iteration_bounds = array<i64: 2, 16>, scalar_prefetch = 0 : i64, scratch_operands = 8 : i64, tpu.core_type = #tpu.core_type<sc_vector_subcore>, window_params = [{transform_indices = #map}, {transform_indices = #map}]} {
    %mul3A = arith.constant 2 : i32
    %mul3A_0 = arith.muli %arg1, %mul3A : i32
    %add3A = arith.addi %mul3A_0, %arg0 : i32
    %mul3A_1 = arith.constant 8 : i32
    %mul3A_2 = arith.muli %add3A, %mul3A_1 : i32
    %add3A_3 = arith.constant 1792 : i32
    %add3A_4 = arith.addi %add3A_3, %mul3A_2 : i32
    %add3A_5 = arith.constant 0 : i32
    %add3A_6 = arith.addi %add3A_4, %add3A_5 : i32
    %dma_start3A = arith.constant 0 : i32
    %dma_start3A_7 = tpu.memref_slice %arg2[%add3A_6, %dma_start3A] : memref<2048x2048xf32, #tpu.memory_space<hbm>> -> memref<8x2048xf32, #tpu.memory_space<hbm>>
    %dma_start3A_8 = arith.constant 0 : i32
    %dma_start3A_9 = tpu.memref_slice %arg2[%add3A_6, %dma_start3A_8] : memref<2048x2048xf32, #tpu.memory_space<hbm>> -> memref<8x2048xf32, #tpu.memory_space<hbm>>
    tpu.enqueue_dma source(%dma_start3A_9 : memref<8x2048xf32, #tpu.memory_space<hbm>>) target(%arg4 : memref<8x2048xf32, #tpu.memory_space<vmem>>) target_semaphore(%arg8 : memref<!tpu.dma_semaphore, #tpu.memory_space<semaphore_mem>>)
    %dma_wait3A = arith.constant 0 : i32
    %dma_wait3A_10 = tpu.memref_slice %arg2[%add3A_6, %dma_wait3A] : memref<2048x2048xf32, #tpu.memory_space<hbm>> -> memref<8x2048xf32, #tpu.memory_space<hbm>>
    %dma_wait3A_11 = arith.constant 0 : i32
    %dma_wait3A_12 = tpu.memref_slice %arg2[%add3A_6, %dma_wait3A_11] : memref<2048x2048xf32, #tpu.memory_space<hbm>> -> memref<8x2048xf32, #tpu.memory_space<hbm>>
    tpu.wait_dma2 semaphore(%arg8 : memref<!tpu.dma_semaphore, #tpu.memory_space<semaphore_mem>>) src(%dma_wait3A_12 : memref<8x2048xf32, #tpu.memory_space<hbm>>) dst(%arg4 : memref<8x2048xf32, #tpu.memory_space<vmem>>)
    %parallel_loop3A = arith.constant 0 : i32
    %parallel_loop3A_13 = arith.constant 1024 : i32
    %parallel_loop3A_14 = arith.constant 1 : i32
    scf.for %parallel_loop3A_25 = %parallel_loop3A to %parallel_loop3A_13 step %parallel_loop3A_14  : i32 {
      %parallel_loop3A_26 = arith.constant 7 : i32
      %parallel_loop3A_27 = arith.andi %parallel_loop3A_25, %parallel_loop3A_26 : i32
      %parallel_loop3A_28 = arith.constant 3 : i32
      %parallel_loop3A_29 = arith.shrsi %parallel_loop3A_25, %parallel_loop3A_28 : i32
      %parallel_loop3A_30 = arith.constant 16 : i32
      %parallel_loop3A_31 = arith.muli %parallel_loop3A_29, %parallel_loop3A_30 : i32
      %parallel_loop3A_32 = arith.index_cast %parallel_loop3A_27 : i32 to index
      %parallel_loop3A_33 = arith.index_cast %parallel_loop3A_31 : i32 to index
      %parallel_loop3A_34 = tpu.vector_load %arg4[%parallel_loop3A_32, %parallel_loop3A_33] {strides = array<i32>} : memref<8x2048xf32, #tpu.memory_space<vmem>>, vector<1x16xf32>,
      %parallel_loop3A_35 = vector.shape_cast %parallel_loop3A_34 : vector<1x16xf32> to vector<16xf32>
      %parallel_loop3A_36 = arith.constant 6.200000e+01 : f32
      %parallel_loop3A_37 = vector.broadcast %parallel_loop3A_36 : f32 to vector<16xf32>
      %parallel_loop3A_38 = arith.mulf %parallel_loop3A_35, %parallel_loop3A_37 : vector<16xf32>
      %parallel_loop3A_39 = arith.fptosi %parallel_loop3A_38 : vector<16xf32> to vector<16xi32>
      %parallel_loop3A_40 = arith.constant 61 : i32
      %parallel_loop3A_41 = vector.broadcast %parallel_loop3A_40 : i32 to vector<16xi32>
      %parallel_loop3A_42 = arith.minsi %parallel_loop3A_39, %parallel_loop3A_41 : vector<16xi32>
      %parallel_loop3A_43 = arith.sitofp %parallel_loop3A_42 : vector<16xi32> to vector<16xf32>
      %parallel_loop3A_44 = arith.constant 0.0161290318 : f32
      %parallel_loop3A_45 = vector.broadcast %parallel_loop3A_44 : f32 to vector<16xf32>
      %parallel_loop3A_46 = arith.mulf %parallel_loop3A_43, %parallel_loop3A_45 : vector<16xf32>
      %parallel_loop3A_47 = arith.constant 1.000000e+00 : f32
      %parallel_loop3A_48 = vector.broadcast %parallel_loop3A_47 : f32 to vector<16xf32>
      %parallel_loop3A_49 = arith.addf %parallel_loop3A_43, %parallel_loop3A_48 : vector<16xf32>
      %parallel_loop3A_50 = arith.constant 0.0161290318 : f32
      %parallel_loop3A_51 = vector.broadcast %parallel_loop3A_50 : f32 to vector<16xf32>
      %parallel_loop3A_52 = arith.mulf %parallel_loop3A_49, %parallel_loop3A_51 : vector<16xf32>
      %parallel_loop3A_53 = arith.cmpf ogt, %parallel_loop3A_35, %parallel_loop3A_46 : vector<16xf32>
      %parallel_loop3A_54 = arith.cmpf ogt, %parallel_loop3A_35, %parallel_loop3A_52 : vector<16xf32>
      %parallel_loop3A_55 = arith.constant 2 : i32
      %parallel_loop3A_56 = arith.constant 1 : i32
      %parallel_loop3A_57 = vector.broadcast %parallel_loop3A_55 : i32 to vector<16xi32>
      %parallel_loop3A_58 = vector.broadcast %parallel_loop3A_56 : i32 to vector<16xi32>
      %parallel_loop3A_59 = arith.select %parallel_loop3A_54, %parallel_loop3A_57, %parallel_loop3A_58 : vector<16xi1>, vector<16xi32>
      %parallel_loop3A_60 = arith.constant 0 : i32
      %parallel_loop3A_61 = vector.broadcast %parallel_loop3A_60 : i32 to vector<16xi32>
      %parallel_loop3A_62 = arith.select %parallel_loop3A_53, %parallel_loop3A_59, %parallel_loop3A_61 : vector<16xi1>, vector<16xi32>
      %parallel_loop3A_63 = arith.addi %parallel_loop3A_42, %parallel_loop3A_62 : vector<16xi32>
      %parallel_loop3A_64 = arith.index_cast %parallel_loop3A_27 : i32 to index
      %parallel_loop3A_65 = arith.index_cast %parallel_loop3A_31 : i32 to index
      %parallel_loop3A_66 = tpu.vector_load %arg6[%parallel_loop3A_64, %parallel_loop3A_65] {strides = array<i32>} : memref<8x2048xi32, #tpu.memory_space<vmem>>, vector<1x16xi32>,
      %parallel_loop3A_67 = vector.shape_cast %parallel_loop3A_66 : vector<1x16xi32> to vector<16xi32>
      %parallel_loop3A_68 = vector.shape_cast %parallel_loop3A_63 : vector<16xi32> to vector<1x16xi32>
      tpu.vector_store %arg6[%parallel_loop3A_64, %parallel_loop3A_65], %parallel_loop3A_68 {strides = array<i32>} : memref<8x2048xi32, #tpu.memory_space<vmem>>, vector<1x16xi32>,
    } {sc.loop_unroll_factor = 8 : i64, sc.parallel_access}
    %add3A_15 = arith.constant 0 : i32
    %add3A_16 = arith.addi %mul3A_2, %add3A_15 : i32
    %dma_start3A_17 = arith.constant 0 : i32
    %dma_start3A_18 = tpu.memref_slice %arg3[%add3A_16, %dma_start3A_17] : memref<256x2048xi32, #tpu.memory_space<hbm>> -> memref<8x2048xi32, #tpu.memory_space<hbm>>
    %dma_start3A_19 = arith.constant 0 : i32
    %dma_start3A_20 = tpu.memref_slice %arg3[%add3A_16, %dma_start3A_19] : memref<256x2048xi32, #tpu.memory_space<hbm>> -> memref<8x2048xi32, #tpu.memory_space<hbm>>
    tpu.enqueue_dma source(%arg6 : memref<8x2048xi32, #tpu.memory_space<vmem>>) target(%dma_start3A_20 : memref<8x2048xi32, #tpu.memory_space<hbm>>) target_semaphore(%arg10 : memref<!tpu.dma_semaphore, #tpu.memory_space<semaphore_mem>>)
    %dma_wait3A_21 = arith.constant 0 : i32
    %dma_wait3A_22 = tpu.memref_slice %arg3[%add3A_16, %dma_wait3A_21] : memref<256x2048xi32, #tpu.memory_space<hbm>> -> memref<8x2048xi32, #tpu.memory_space<hbm>>
    %dma_wait3A_23 = arith.constant 0 : i32
    %dma_wait3A_24 = tpu.memref_slice %arg3[%add3A_16, %dma_wait3A_23] : memref<256x2048xi32, #tpu.memory_space<hbm>> -> memref<8x2048xi32, #tpu.memory_space<hbm>>
    tpu.wait_dma2 semaphore(%arg10 : memref<!tpu.dma_semaphore, #tpu.memory_space<semaphore_mem>>) src(%arg6 : memref<8x2048xi32, #tpu.memory_space<vmem>>) dst(%dma_wait3A_24 : memref<8x2048xi32, #tpu.memory_space<hbm>>)
    return
  }
}

module attributes {stable_mosaic.version = 14 : i64} {
  func.func @_tc_merge(%arg0: i32, %arg1: memref<128x2048xi32, #tpu.memory_space<vmem>>, %arg2: memref<2048x2048xi32, #tpu.memory_space<any>>, %arg3: memref<128x2048xi32, #tpu.memory_space<vmem>>) attributes {dimension_semantics = [#tpu.dimension_semantics<arbitrary>], iteration_bounds = array<i64: 2>, scalar_prefetch = 0 : i64, scratch_operands = 0 : i64, tpu.core_type = #tpu.core_type<tc>, window_params = [{transform_indices = @transform_0, window_bounds = array<i64: 128, 2048>}, {}, {transform_indices = @transform_2, window_bounds = array<i64: 128, 2048>}]} {
    %get3A = arith.constant 0 : index
    %get3A_0 = arith.constant 0 : index
    %get3A_1 = vector.load %arg1[%get3A, %get3A_0] : memref<128x2048xi32, #tpu.memory_space<vmem>>, vector<128x2048xi32>
    %swap3A = arith.constant 0 : index
    %swap3A_2 = arith.constant 0 : index
    %swap3A_3 = vector.load %arg3[%swap3A, %swap3A_2] : memref<128x2048xi32, #tpu.memory_space<vmem>>, vector<128x2048xi32>
    tpu.vector_store %arg3[%swap3A, %swap3A_2], %get3A_1 {strides = array<i32>} : memref<128x2048xi32, #tpu.memory_space<vmem>>, vector<128x2048xi32>,
    return
  }
  func.func @transform_0(%arg0: i32) -> (i32, i32) {
    %c0_i32 = arith.constant 0 : i32
    %c0_i32_0 = arith.constant 0 : i32
    return %arg0, %c0_i32 : i32, i32
  }
  func.func @transform_2(%arg0: i32) -> (i32, i32) {
    %add3A = arith.constant 14 : i32
    %add3A_0 = arith.addi %arg0, %add3A : i32
    %c0_i32 = arith.constant 0 : i32
    %c0_i32_1 = arith.constant 0 : i32
    return %add3A_0, %c0_i32 : i32, i32
  }
}

module attributes {stable_mosaic.version = 14 : i64} {
  func.func @_tc_kernel(%arg0: i32, %arg1: memref<896x2048xf32, #tpu.memory_space<vmem>>, %arg2: memref<896x2048xi32, #tpu.memory_space<vmem>>) attributes {dimension_semantics = [#tpu.dimension_semantics<arbitrary>], iteration_bounds = array<i64: 2>, scalar_prefetch = 0 : i64, scratch_operands = 0 : i64, tpu.core_type = #tpu.core_type<tc>, window_params = [{transform_indices = @transform_0, window_bounds = array<i64: 896, 2048>}, {transform_indices = @transform_1, window_bounds = array<i64: 896, 2048>}]} {
    %get3A = arith.constant 0 : index
    %get3A_0 = arith.constant 0 : index
    %get3A_1 = vector.load %arg1[%get3A, %get3A_0] : memref<896x2048xf32, #tpu.memory_space<vmem>>, vector<896x2048xf32>
    %mul3A = arith.constant 6.200000e+01 : f32
    %mul3A_2 = vector.broadcast %mul3A : f32 to vector<896x2048xf32>
    %mul3A_3 = arith.mulf %get3A_1, %mul3A_2 : vector<896x2048xf32>
    %convert_element_type3A = arith.fptosi %mul3A_3 : vector<896x2048xf32> to vector<896x2048xi32>
    %min3A = arith.constant 61 : i32
    %min3A_4 = vector.broadcast %min3A : i32 to vector<896x2048xi32>
    %min3A_5 = arith.minsi %convert_element_type3A, %min3A_4 : vector<896x2048xi32>
    %convert_element_type3A_6 = arith.sitofp %min3A_5 : vector<896x2048xi32> to vector<896x2048xf32>
    %mul3A_7 = arith.constant 0.0161290318 : f32
    %mul3A_8 = vector.broadcast %mul3A_7 : f32 to vector<896x2048xf32>
    %mul3A_9 = arith.mulf %convert_element_type3A_6, %mul3A_8 : vector<896x2048xf32>
    %add3A = arith.constant 1.000000e+00 : f32
    %add3A_10 = vector.broadcast %add3A : f32 to vector<896x2048xf32>
    %add3A_11 = arith.addf %convert_element_type3A_6, %add3A_10 : vector<896x2048xf32>
    %mul3A_12 = arith.constant 0.0161290318 : f32
    %mul3A_13 = vector.broadcast %mul3A_12 : f32 to vector<896x2048xf32>
    %mul3A_14 = arith.mulf %add3A_11, %mul3A_13 : vector<896x2048xf32>
    %gt3A = arith.cmpf ogt, %get3A_1, %mul3A_9 : vector<896x2048xf32>
    %gt3A_15 = arith.cmpf ogt, %get3A_1, %mul3A_14 : vector<896x2048xf32>
    %jit3A = arith.constant 2 : i32
    %jit3A_16 = arith.constant 1 : i32
    %broadcast_in_dim3A = vector.broadcast %jit3A : i32 to vector<896x2048xi32>
    %broadcast_in_dim3A_17 = vector.broadcast %jit3A_16 : i32 to vector<896x2048xi32>
    %select_n3A = arith.select %gt3A_15, %broadcast_in_dim3A, %broadcast_in_dim3A_17 : vector<896x2048xi1>, vector<896x2048xi32>
    %jit3A_18 = arith.constant 0 : i32
    %broadcast_in_dim3A_19 = vector.broadcast %jit3A_18 : i32 to vector<896x2048xi32>
    %select_n3A_20 = arith.select %gt3A, %select_n3A, %broadcast_in_dim3A_19 : vector<896x2048xi1>, vector<896x2048xi32>
    %add3A_21 = arith.addi %min3A_5, %select_n3A_20 : vector<896x2048xi32>
    %swap3A = arith.constant 0 : index
    %swap3A_22 = arith.constant 0 : index
    %swap3A_23 = vector.load %arg2[%swap3A, %swap3A_22] : memref<896x2048xi32, #tpu.memory_space<vmem>>, vector<896x2048xi32>
    tpu.vector_store %arg2[%swap3A, %swap3A_22], %add3A_21 {strides = array<i32>} : memref<896x2048xi32, #tpu.memory_space<vmem>>, vector<896x2048xi32>,
    return
  }
  func.func @transform_0(%arg0: i32) -> (i32, i32) {
    %c0_i32 = arith.constant 0 : i32
    %c0_i32_0 = arith.constant 0 : i32
    return %arg0, %c0_i32 : i32, i32
  }
  func.func @transform_1(%arg0: i32) -> (i32, i32) {
    %c0_i32 = arith.constant 0 : i32
    %c0_i32_0 = arith.constant 0 : i32
    return %arg0, %c0_i32 : i32, i32
  }
}

</mosaic_0001>

<sc_bundles>
// kernel: kernel.5.cloned.1.call-start
scs
__scs_entry_jumppad:
0x0: {  	(pc) =	sbr.rel $0x88, $3  }
0x1: {  	(tag) =	ssettag $0x0;
	lr =	simm.s32 $0x1  }
0x2: {  	[smem:$0x3FA0] =	sst lr;
	_ =	strace $0xD0000000  }
0x3: {  	_ = 	snop  }
0x4: {  	_ = 	snop  }
0x5: {  	_ = 	snop  }
0x6: {  	_ = 	snop  }
0x7: {  	_ = 	snop  }
__scs_overlays_trampoline_lowered:
0x8: {  	[smem:$0x3FAF] =	sst s0  }
0x9: {  	[smem:$0x3FB0] =	sst s1  }
0xa: {  	[smem:$0x3FB1] =	sst s2  }
0xb: {  	[smem:$0x3FB2] =	sst s3  }
0xc: {  	[smem:$0x3FB3] =	sst s4  }
0xd: {  	[smem:$0x3FB4] =	sst s5  }
0xe: {  	[smem:$0x3FB5] =	sst s6  }
0xf: {  	[smem:$0x3FB6] =	sst s7  }
0x10: {  	[smem:$0x3FB7] =	sst s8  }
0x11: {  	[smem:$0x3FB8] =	sst s9;
	s0 =	simm.s32 @!p0 $0x0  }
0x12: {  	s1 =	sld [smem:$0x3F9E];
	s0 =	simm.s32 @p0 $0x1  }
0x13: {  	[smem:$0x3FB9] =	sst s0;
	s0 =	simm.s32 @!p1 $0x0  }
0x14: {  	s2 =	sld [smem:$0x3F9D];
	s0 =	simm.s32 @p1 $0x1  }
0x15: {  	[smem:$0x3FBA] =	sst s0;
	s0 =	simm.s32 @!p2 $0x0  }
0x16: {  	s3 =	sld [smem:$0x3FDB];
	s0 =	simm.s32 @p2 $0x1  }
0x17: {  	s4 =	simm.s32 $0x1BF5;
	[smem:$0x3FBC] =	sst s0  }
0x18: {  	s0 =	sld [smem:$0x3F9F];
	_ =	swait.ge [sflag:s4], $0x0  }
0x19: {  	s7 =	sld [smem:$0x3FA0]  }
0x1a: {  	s8 =	sadd.s32 $0xFFFFE003, lr  }
0x1b: {  	s9 =	sadd.s32 $0xFFFFFEF7, lr;
	s5 =	simm.s32 $0xFFFFFFFF;
	p2 =	slt.u32 s8, $0xFFFFF086  }
0x1c: {  	p1 =	slt.u32 s9, $0xF7A;
	s5 =	simm.s32 @!p2 $0x0  }
0x1d: {  	s5 =	simm.s32 @p1 $0x1;
	p0 =	seq.s32 s7, s2  }
0x1e: {  	s7 =	smul.u32 @!p0 $0xF7A, s2;
	p2 =	seq.s32 @!p0 s5, $0x0  }
0x1f: {  	s9 =	smul.u32 $0xF7A, s1;
	s8 =	simm.s32 @!p0 $0x1BF5;
	p2 =	por !p2, p0  }
0x20: {  	[sflag:s8] =	ssyncset.s32 @!p0 $0xFFFFF086;
	s6 =	sadd.s32 @!p0 s3, s7;
	s7 =	simm.s32 @!p0 $0x108  }
0x21: {  	s3 =	sadd.s32 s3, s9;
	s6 =	sadd.s32 @!p0 $0x88, s6;
	s7 =	simm.s32 @p2 $0x1082  }
0x22: {  	[simem:s7], [sflag:s8] =	dma.local @!p0 [hbm:s6], $0xF7A  }
0x23: {  	s9 =	sor.u32 $0xD0000000, s2;
	s6 =	simm.s32 $0x108;
	_ =	swait.ge @!p0 [sflag:s8], $0x0  }
0x24: {  	s3 =	sadd.s32 $0x88, s3;
	s6 =	simm.s32 @!p1 $0x1082;
	[sflag:s4] =	ssyncset.s32 $0xFFFFF086  }
0x25: {  	[simem:s6], [sflag:s4] =	dma.local [hbm:s3], $0xF7A  }
0x26: {  	[smem:$0x3FA0] =	sst s1;
	(tag) =	ssettag s2;
	_ =	strace s9  }
0x27: {  	s1 =	sld [smem:$0x3FB0]  }
0x28: {  	s2 =	sld [smem:$0x3FB1]  }
0x29: {  	s4 =	sld [smem:$0x3FB3]  }
0x2a: {  	p0 =	seq.s32 s5, $0x0;
	s5 =	sld [smem:$0x3FB4]  }
0x2b: {  	s6 =	sld [smem:$0x3FB5]  }
0x2c: {  	s7 =	sld [smem:$0x3FB6]  }
0x2d: {  	s3 =	simm.s32 $0x108;
	s8 =	sld [smem:$0x3FB7]  }
0x2e: {  	s3 =	simm.s32 @!p0 $0x1082;
	s9 =	sld [smem:$0x3FB8]  }
0x2f: {  	lr =	sadd.s32 s0, s3;
	s0 =	sld [smem:$0x3FAF]  }
0x30: {  	s3 =	sld [smem:$0x3FB2]  }
0x31: {  	[smem:$0x3FBB] =	sst s10  }
0x32: {  	s10 =	sld [smem:$0x3FB9];
	_ =	sdelay $0x3  }
0x33: {  	p0 =	seq.s32 s10, $0x1;
	s10 =	sld [smem:$0x3FBB];
	_ =	sdelay $0x3  }
0x34: {  	[smem:$0x3FBB] =	sst s10  }
0x35: {  	s10 =	sld [smem:$0x3FBA];
	_ =	sdelay $0x3  }
0x36: {  	p1 =	seq.s32 s10, $0x1;
	s10 =	sld [smem:$0x3FBB];
	_ =	sdelay $0x3  }
0x37: {  	[smem:$0x3FBB] =	sst s10  }
0x38: {  	s10 =	sld [smem:$0x3FBC]  }
0x39: {  	_ = 	snop;
	(pc) =	sbr.ind lr, $3  }
0x3a: {  	_ = 	snop  }
0x3b: {  	_ = 	snop  }
0x3c: {  	p2 =	seq.s32 s10, $0x1;
	s10 =	sld [smem:$0x3FBB]  }
0x3d: {  	_ =	shalt  }
0x3e: {  	_ =	shalt  }
0x3f: {  	_ =	shalt  }
0x40: {  	_ =	shalt  }
0x41: {  	_ =	shalt  }
0x42: {  	_ =	shalt  }
0x43: {  	_ =	shalt  }
0x44: {  	_ =	shalt  }
0x45: {  	_ =	shalt  }
0x46: {  	_ =	shalt  }
0x47: {  	_ =	shalt  }
0x48: {  	_ =	shalt  }
0x49: {  	_ =	shalt  }
0x4a: {  	_ =	shalt  }
0x4b: {  	_ =	shalt  }
0x4c: {  	_ =	shalt  }
0x4d: {  	_ =	shalt  }
0x4e: {  	_ =	shalt  }
0x4f: {  	_ =	shalt  }
0x50: {  	_ =	shalt  }
0x51: {  	_ =	shalt  }
0x52: {  	_ =	shalt  }
0x53: {  	_ =	shalt  }
0x54: {  	_ =	shalt  }
0x55: {  	_ =	shalt  }
0x56: {  	_ =	shalt  }
0x57: {  	_ =	shalt  }
0x58: {  	_ =	shalt  }
0x59: {  	_ =	shalt  }
0x5a: {  	_ =	shalt  }
0x5b: {  	_ =	shalt  }
0x5c: {  	_ =	shalt  }
0x5d: {  	_ =	shalt  }
0x5e: {  	_ =	shalt  }
0x5f: {  	_ =	shalt  }
0x60: {  	_ =	shalt  }
0x61: {  	_ =	shalt  }
0x62: {  	_ =	shalt  }
0x63: {  	_ =	shalt  }
0x64: {  	_ =	shalt  }
0x65: {  	_ =	shalt  }
0x66: {  	_ =	shalt  }
0x67: {  	_ =	shalt  }
0x68: {  	_ =	shalt  }
0x69: {  	_ =	shalt  }
0x6a: {  	_ =	shalt  }
0x6b: {  	_ =	shalt  }
0x6c: {  	_ =	shalt  }
0x6d: {  	_ =	shalt  }
0x6e: {  	_ =	shalt  }
0x6f: {  	_ =	shalt  }
0x70: {  	_ =	shalt  }
0x71: {  	_ =	shalt  }
0x72: {  	_ =	shalt  }
0x73: {  	_ =	shalt  }
0x74: {  	_ =	shalt  }
0x75: {  	_ =	shalt  }
0x76: {  	_ =	shalt  }
0x77: {  	_ =	shalt  }
0x78: {  	_ =	shalt  }
0x79: {  	_ =	shalt  }
0x7a: {  	_ =	shalt  }
0x7b: {  	_ =	shalt  }
0x7c: {  	_ =	shalt  }
0x7d: {  	_ =	shalt  }
0x7e: {  	_ =	shalt  }
0x7f: {  	_ =	shalt  }
0x80: {  	_ =	shalt  }
0x81: {  	_ =	shalt  }
0x82: {  	_ =	shalt  }
0x83: {  	_ =	shalt  }
0x84: {  	_ =	shalt  }
0x85: {  	_ =	shalt  }
0x86: {  	_ =	shalt  }
0x87: {  	_ =	shalt  }
.Lfunc_end0:
.L_simem_size_0:
called_computation_lowered:
.L_overlay_start_0:
0x88: {  	s2 =	sld [smem:$0x3FD9]  }
0x89: {  	s3 =	sld [smem:$0x3FFE];
	_ =	sdelay $0x1  }
0x8a: {  	s1 =	srdreg.scid  }
0x8b: {  	s0 =	sand.u32 $0x1, s1  }
0x8c: {  	s17 =	sshll.u32 s0, $0xA;
	s2 =	sadd.s32 s3, s2  }
0x8d: {  	s2 =	sadd.s32 s2, s17  }
0x8e: {  	[smem:$0x3FC7] =	sst s2  }
0x8f: {  	_ = 	snop  }
0x90: {  	s2 =	sld [smem:$0x3FC9];
	(tm) =	ssettm $0x1  }
0x91: {  	s18 =	sld [smem:$0x3FFB];
	_ =	sdelay $0x3  }
0x92: {  	_ =	strace s18  }
0x93: {  	s3 =	sld [smem:$0x3FFC];
	_ =	sdelay $0x3  }
0x94: {  	_ =	strace s3  }
0x95: {  	s3 =	sld [smem:$0x3FFD];
	_ =	sdelay $0x3  }
0x96: {  	_ =	strace s3  }
0x97: {  	_ =	strace $0x8FFFFFFF  }
0x98: {  	s19 =	sld [smem:$0x3FDB];
	_ =	sdelay $0x1  }
0x99: {  	s4 =	simm.s32 $_scs_section_size  }
0x9a: {  	s5 =	simm.s32 $_size__tile_overlayer_lowered;
	s6 =	simm.s32 $_tile_overlayer_lowered  }
0x9b: {  	s22 =	simm.s32 $0x1BFF;
	s21 =	sshll.u32 s6, $0x1;
	s3 =	sadd.s32 s4, s19  }
0x9c: {  	s7 =	simm.s32 $0x0;
	s20 =	sshll.u32 s5, $0x1;
	s5 =	sadd.s32 s21, s3  }
0x9d: {  	[timem:s7], [sflag:s22] =	dma.local [hbm:s5], s20  }
0x9e: {  	_ =	swait.ge [sflag:s22], s20  }
0x9f: {  	s4 =	ssub.s32 $0x0, s20;
	[sflag:s22] =	ssyncset.done $0x0  }
0xa0: {  	[sflag:s22] =	ssyncadd.s32 s4;
	_ =	sdelay $0x1  }
0xa1: {  	s23 =	simm.s32 $0x1B8B  }
0xa2: {  	_ =	swait.ge [sflag:s23], $0x1  }
0xa3: {  	[sflag:s23] =	ssyncset.done $0x0  }
0xa4: {  	s25 =	simm.s32 $0x1B8E;
	s24 =	sld [smem:$0x3FFE];
	[sflag:s23] =	ssyncadd.s32 $0xFFFFFFFF  }
0xa5: {  	s26 =	simm.s32 $execute0_lowered;
	[smem:$0x3FD2] =	sst s25  }
0xa6: {  	s5 =	sshll.u32 s26, $0x1;
	_ =	strace $0x80000046;
	[dreg:$0x1] =	wrdreg $0xFFFFFFFF  }
0xa7: {  	s28 =	simm.s32 $_size_execute0_lowered;
	s3 =	sadd.s32 s3, s5;
	[dreg:$0x0] =	wrdreg $0x0  }
0xa8: {  	s5 =	sshll.u32 s28, $0x1;
	[dreg:$0x2] =	wrdreg s3  }
0xa9: {  	[dreg:$0x3] =	wrdreg s5  }
0xaa: {  	[dreg:$0x4] =	wrdreg $0xC0  }
0xab: {  	_ =	task [dreg:s7], $0x5FFFF  }
0xac: {  	[dreg:$0x1] =	wrdreg $0xFFFFFFFF  }
0xad: {  	[dreg:$0x0] =	wrdreg $0x60  }
0xae: {  	[dreg:$0x2] =	wrdreg s2  }
0xaf: {  	[dreg:$0x3] =	wrdreg s24  }
0xb0: {  	[dreg:$0x4] =	wrdreg $0x9  }
0xb1: {  	_ =	task.clear_ibuf [dreg:s7], $0x5FFFF;
	_ =	strace $0x90000046  }
0xb2: {  	s29 =	simm.s32 $0x9;
	_ =	strace $0x80000048  }
0xb3: {  	_ =	swait.ge [sflag:s29], $0x1  }
0xb4: {  	[sflag:s29] =	ssyncadd.s32 $0xFFFFFFFF  }
0xb5: {  	_ =	strace $0x90000048  }
0xb6: {  	_ =	sfence  }
0xb7: {  	s30 =	sld [smem:$0x0];
	_ =	sdelay $0x2  }
0xb8: {  	s31 =	sshll.u32 s1, $0xD;
	s1 =	sshrl.u32 s1, $0x2  }
0xb9: {  	s3 =	sand.u32 $0x4000, s31;
	s1 =	sadd.s32 s1, s30  }
0xba: {  	s0 =	sor.u32 s3, s0;
	s1 =	sshll.u32 s1, $0x11  }
0xbb: {  	s0 =	sor.u32 s1, s0  }
0xbc: {  	s0 =	sadd.s32 $0x8F2B, s0  }
0xbd: {  	[sflag:s0] =	ssyncadd.remote.s32 $0x1  }
0xbe: {  	_ =	sfence.sel $0xFFFF  }
0xbf: {  	[dreg:$0x0] =	wrdreg $0xFFFFFFFF;
	(pc) =	sbr.abs _section_cstart, $3  }
0xc0: {  	[dreg:$0x1] =	wrdreg $0xFFFFFFFF  }
0xc1: {  	_ =	task.clear_ibuf [dreg:s7], $0x2FFFF;
	_ =	strace $0x9FFFFFFF  }
0xc2: {  	(tm) =	ssettm $0x7FFFFFFF  }
0xc3: {  	_ =	shalt  }
tec
execute0_lowered:
.L_overlay_start_1:
0x0: {  	(tag) =	ssettag $0x1  }
0x1: {  	s3 =	rddreg [dreg:$0x0]  }
0x2: {  	s4 =	rddreg [dreg:$0x1];
	s2 =	srdreg.scid  }
0x3: {  	s0 =	rddreg [dreg:$0x2];
	s1 =	stileid.u32;
	s8 =	simm.s32 $0x2  }
0x4: {  	s9 =	simm.s32 $0x0;
	s5 =	sand.u32 $0x1, s2;
	s2 =	simm.s32 $0x0  }
0x5: {  	s6 =	sshll.u32 s1, $0xC;
	s7 =	sshll.u32 s5, $0xB;
	[smem:$0x7FF] =	sst s2  }
0x6: {  	s5 =	ssub.s32 $0x2, s5;
	s6 =	sor.u32 s7, s6;
	_ =	strace $0x80000047  }
0x7: {  	s31 =	sshrl.u32 s5, $0x1;
	s7 =	simm.s32 $0x4000;
	s3 =	sadd.s32 s6, s3  }
0x8: {  	s4 =	sadd.s32 s6, s4;
	s5 =	ssub.s32 s5, s31;
	s6 =	simm.s32 $0x1  }
0x9: {  	v0 =	vimm.s32 $0x1;
	s3 =	sadd.s32 $0x70000, s3;
	s4 =	sadd.s32 $0x800, s4;
	s5 =	smax.u32 s5, $0x1  }
.LBB2_1:
0xa: {  	[tilespmem:s2], [sflag:$0x1] =	stream.linear.gather [hbm4b:s3+s2], $0x4000, $0x38;
	[tilespmem:$0x8000] =	vst v63  }
0xb: {  	s10 =	sand.u32 $0x7, s2  }
0xc: {  	_ =	swait.ge [sflag:s6], $0x4000;
	s10 =	sshll.u32 s10, $0x4  }
0xd: {  	s11 =	sand.u32 $0x70, s2;
	[sflag:s6] =	ssyncset.done $0x0;
	s10 =	sadd.s32 $0x0, s10  }
0xe: {  	s13 =	sand.u32 $0x3C00, s2;
	[sflag:s6] =	ssyncadd.s32 $0xFFFFC000;
	s12 =	sor.u32 $0x380, s10  }
0xf: {  	s10 =	sor.u32 s11, s13;
	v8 =	vld [tilespmem:s12+$0x0]  }
0x10: {  	v4 =	vld [tilespmem:s10+$0x0]  }
0x11: {  	v1 =	vld [tilespmem:s10+$0x80]  }
0x12: {  	v2 =	vld [tilespmem:s10+$0x100]  }
0x13: {  	v5 =	vld [tilespmem:s10+$0x180]  }
0x14: {  	v3 =	vld [tilespmem:s10+$0x200]  }
0x15: {  	v6 =	vld [tilespmem:s10+$0x280]  }
0x16: {  	v7 =	vld [tilespmem:s10+$0x300];
	_ =	sdelay $0x1  }
0x17: {  	v9 =	vmul.f32 $6.200000000e+01, v8;
	v10 =	vmul.f32 $6.200000000e+01, v4  }
0x18: {  	v11 =	vmul.f32 $6.200000000e+01, v1;
	v12 =	vmul.f32 $6.200000000e+01, v2  }
0x19: {  	v13 =	vmul.f32 $6.200000000e+01, v5;
	v14 =	vmul.f32 $6.200000000e+01, v3  }
0x1a: {  	v15 =	vmul.f32 $6.200000000e+01, v6;
	v16 =	vmul.f32 $6.200000000e+01, v7  }
0x1b: {  	v9 =	vtrunc.f32 v9;
	v10 =	vtrunc.f32 v10  }
0x1c: {  	v11 =	vtrunc.f32 v11;
	v9 =	vcvt.f32.s32 v9  }
0x1d: {  	v12 =	vtrunc.f32 v12;
	v13 =	vtrunc.f32 v13  }
0x1e: {  	v14 =	vtrunc.f32 v14;
	v12 =	vcvt.f32.s32 v12;
	vm0 =	vlt.s32 v9, $0x3D  }
0x1f: {  	v15 =	vtrunc.f32 v15;
	v16 =	vtrunc.f32 v16;
	v9 =	vnsel vm0, $0x3D, v9  }
0x20: {  	v10 =	vcvt.f32.s32 v10;
	vm3 =	vlt.s32 v12, $0x3D;
	v17 =	vcvt.s32.f32 v9  }
0x21: {  	v19 =	vcvt.f32.s32 v13;
	v15 =	vcvt.f32.s32 v15;
	v12 =	vnsel vm3, $0x3D, v12  }
0x22: {  	vm0 =	vlt.s32 v10, $0x3D;
	v20 =	vcvt.s32.f32 v12;
	v18 =	vadd.f32 $1.000000000e+00, v17  }
0x23: {  	v13 =	vmul.f32 $1.612903180e-02, v17;
	v17 =	vcvt.f32.s32 v14;
	v14 =	vnsel vm0, $0x3D, v10  }
0x24: {  	v11 =	vcvt.f32.s32 v11;
	vm0 =	vlt.s32 v15, $0x3D;
	v22 =	vcvt.s32.f32 v14  }
0x25: {  	v24 =	vadd.f32 $1.000000000e+00, v20;
	v18 =	vmul.f32 $1.612903180e-02, v18;
	vm4 =	vlt.s32 v17, $0x3D  }
0x26: {  	vm2 =	vgt.f32 v8, v13;
	v10 =	vnsel vm4, $0x3D, v17;
	v17 =	vadd.f32 $1.000000000e+00, v22  }
0x27: {  	v30 =	vmul.f32 $1.612903180e-02, v24;
	vm1 =	vgt.f32 v8, v18;
	v18 =	vcvt.f32.s32 v16  }
0x28: {  	v8 =	vsel vm1, $0x2, v0;
	vm1 =	vlt.s32 v11, $0x3D;
	v25 =	vmul.f32 $1.612903180e-02, v17  }
0x29: {  	v8 =	vnsel vm2, $0x0, v8;
	vm2 =	vlt.s32 v19, $0x3D;
	vm5 =	vlt.s32 v18, $0x3D  }
0x2a: {  	v13 =	vnsel vm1, $0x3D, v11;
	v21 =	vadd.s32 v9, v8;
	v11 =	vnsel vm2, $0x3D, v19  }
0x2b: {  	v9 =	vnsel vm0, $0x3D, v15;
	v19 =	vcvt.s32.f32 v13;
	v8 =	vnsel vm5, $0x3D, v18  }
0x2c: {  	v18 =	vcvt.s32.f32 v10;
	vm0 =	vgt.f32 v4, v25;
	v16 =	vcvt.s32.f32 v11  }
0x2d: {  	v15 =	vcvt.s32.f32 v9;
	v17 =	vcvt.s32.f32 v8;
	v23 =	vadd.f32 $1.000000000e+00, v19  }
0x2e: {  	[tilespmem:s12+$0x4000] =	vst v21;
	v21 =	vmul.f32 $1.612903180e-02, v22;
	v27 =	vadd.f32 $1.000000000e+00, v18;
	v26 =	vadd.f32 $1.000000000e+00, v16  }
0x2f: {  	v28 =	vadd.f32 $1.000000000e+00, v15;
	v29 =	vadd.f32 $1.000000000e+00, v17;
	v23 =	vmul.f32 $1.612903180e-02, v23  }
0x30: {  	s14 =	simm.s32 $0x0;
	vm2 =	vgt.f32 v2, v30;
	v24 =	vmul.f32 $1.612903180e-02, v27;
	v25 =	vmul.f32 $1.612903180e-02, v26  }
0x31: {  	s11 =	simm.s32 $0x0;
	s13 =	simm.s32 $0x0;
	s12 =	simm.s32 $0x1;
	v22 =	vmul.f32 $1.612903180e-02, v29;
	vm1 =	vgt.f32 v1, v23;
	v23 =	vmul.f32 $1.612903180e-02, v28  }
.LBB2_2:
0x32: {  	s15 =	sand.u32 $0x7, s12;
	s11 =	sadd.s32 $0x8, s11;
	v19 =	vmul.f32 $1.612903180e-02, v19;
	v20 =	vmul.f32 $1.612903180e-02, v20;
	vm3 =	vgt.f32 v5, v25;
	s13 =	sadd.s32 $0x10, s13  }
0x33: {  	v16 =	vmul.f32 $1.612903180e-02, v16;
	v18 =	vmul.f32 $1.612903180e-02, v18;
	vm4 =	vgt.f32 v3, v24;
	s14 =	sadd.s32 $0x80, s14;
	s15 =	sshll.u32 s15, $0x4;
	p0 =	slt.u32 s11, $0x3F8  }
0x34: {  	v15 =	vmul.f32 $1.612903180e-02, v15;
	vm5 =	vgt.f32 v6, v23;
	v17 =	vmul.f32 $1.612903180e-02, v17;
	s16 =	sand.u32 $0x70, s13;
	s17 =	sand.u32 $0x3C00, s14;
	s15 =	sadd.s32 s15, s14  }
0x35: {  	v23 =	vsel vm0, $0x2, v0;
	v24 =	vsel vm1, $0x2, v0;
	vm0 =	vgt.f32 v7, v22;
	s16 =	sor.u32 s16, s17;
	s15 =	sor.u32 $0x380, s15  }
0x36: {  	v25 =	vsel vm2, $0x2, v0;
	v26 =	vsel vm3, $0x2, v0;
	v27 =	vsel vm4, $0x2, v0;
	v22 =	vld [tilespmem:s15+$0x0]  }
0x37: {  	vm1 =	vgt.f32 v4, v21;
	v21 =	vsel vm5, $0x2, v0;
	v28 =	vsel vm0, $0x2, v0;
	v4 =	vld [tilespmem:s16+$0x0]  }
0x38: {  	vm0 =	vgt.f32 v1, v19;
	vm2 =	vgt.f32 v2, v20;
	vm3 =	vgt.f32 v5, v16;
	v1 =	vld [tilespmem:s16+$0x80]  }
0x39: {  	vm4 =	vgt.f32 v3, v18;
	vm5 =	vgt.f32 v6, v15;
	vm6 =	vgt.f32 v7, v17;
	v2 =	vld [tilespmem:s16+$0x100]  }
0x3a: {  	v15 =	vnsel vm1, $0x0, v23;
	v16 =	vnsel vm0, $0x0, v24;
	v17 =	vnsel vm2, $0x0, v25;
	v5 =	vld [tilespmem:s16+$0x180]  }
0x3b: {  	v19 =	vnsel vm3, $0x0, v26;
	v20 =	vnsel vm4, $0x0, v27;
	v3 =	vld [tilespmem:s16+$0x200];
	v18 =	vmul.f32 $6.200000000e+01, v22  }
0x3c: {  	v21 =	vnsel vm5, $0x0, v21;
	v24 =	vnsel vm6, $0x0, v28;
	v23 =	vmul.f32 $6.200000000e+01, v4;
	v6 =	vld [tilespmem:s16+$0x280]  }
0x3d: {  	v14 =	vadd.s32 v14, v15;
	v25 =	vmul.f32 $6.200000000e+01, v1;
	v7 =	vld [tilespmem:s16+$0x300];
	v18 =	vtrunc.f32 v18  }
0x3e: {  	v13 =	vadd.s32 v13, v16;
	v15 =	vmul.f32 $6.200000000e+01, v2;
	v18 =	vcvt.f32.s32 v18;
	[tilespmem:s10+$0x4000] =	vst v14  }
0x3f: {  	v12 =	vadd.s32 v12, v17;
	v14 =	vtrunc.f32 v23;
	v16 =	vmul.f32 $6.200000000e+01, v5;
	[tilespmem:s10+$0x4080] =	vst v13  }
0x40: {  	v13 =	vtrunc.f32 v25;
	v17 =	vmul.f32 $6.200000000e+01, v3;
	vm0 =	vlt.s32 v18, $0x3D;
	[tilespmem:s10+$0x4100] =	vst v12  }
0x41: {  	v12 =	vtrunc.f32 v15;
	v15 =	vmul.f32 $6.200000000e+01, v6;
	v18 =	vnsel vm0, $0x3D, v18  }
0x42: {  	v11 =	vadd.s32 v11, v19;
	v23 =	vmul.f32 $6.200000000e+01, v7;
	v25 =	vcvt.s32.f32 v18  }
0x43: {  	v10 =	vadd.s32 v10, v20;
	v16 =	vtrunc.f32 v16;
	v17 =	vtrunc.f32 v17;
	[tilespmem:s10+$0x4180] =	vst v11  }
0x44: {  	v11 =	vtrunc.f32 v15;
	v15 =	vtrunc.f32 v23;
	v19 =	vadd.f32 $1.000000000e+00, v25;
	[tilespmem:s10+$0x4200] =	vst v10  }
0x45: {  	v9 =	vadd.s32 v9, v21;
	v13 =	vcvt.f32.s32 v13;
	v10 =	vcvt.f32.s32 v14  }
0x46: {  	v8 =	vadd.s32 v8, v24;
	v12 =	vcvt.f32.s32 v12;
	v14 =	vmul.f32 $1.612903180e-02, v19;
	[tilespmem:s10+$0x4280] =	vst v9  }
0x47: {  	vm0 =	vlt.s32 v10, $0x3D;
	v9 =	vcvt.f32.s32 v16;
	v16 =	vmul.f32 $1.612903180e-02, v25;
	[tilespmem:s10+$0x4300] =	vst v8;
	s10 =	smov.u32 s16  }
0x48: {  	v8 =	vcvt.f32.s32 v17;
	v17 =	vcvt.f32.s32 v11;
	vm1 =	vgt.f32 v22, v14  }
0x49: {  	v15 =	vcvt.f32.s32 v15;
	vm2 =	vgt.f32 v22, v16;
	v11 =	vsel vm1, $0x2, v0  }
0x4a: {  	vm3 =	vlt.s32 v12, $0x3D;
	vm1 =	vlt.s32 v13, $0x3D;
	v11 =	vnsel vm2, $0x0, v11  }
0x4b: {  	vm4 =	vlt.s32 v8, $0x3D;
	vm2 =	vlt.s32 v9, $0x3D;
	v11 =	vadd.s32 v18, v11  }
0x4c: {  	vm5 =	vlt.s32 v15, $0x3D;
	v14 =	vnsel vm0, $0x3D, v10;
	vm0 =	vlt.s32 v17, $0x3D;
	[tilespmem:s15+$0x4000] =	vst v11  }
0x4d: {  	v12 =	vnsel vm3, $0x3D, v12;
	v13 =	vnsel vm1, $0x3D, v13;
	v11 =	vnsel vm2, $0x3D, v9  }
0x4e: {  	v10 =	vnsel vm4, $0x3D, v8;
	v8 =	vnsel vm5, $0x3D, v15;
	v9 =	vnsel vm0, $0x3D, v17  }
0x4f: {  	v21 =	vcvt.s32.f32 v14;
	v19 =	vcvt.s32.f32 v13  }
0x50: {  	v20 =	vcvt.s32.f32 v12;
	v16 =	vcvt.s32.f32 v11  }
0x51: {  	v22 =	vadd.f32 $1.000000000e+00, v21;
	v18 =	vcvt.s32.f32 v10;
	v15 =	vcvt.s32.f32 v9  }
0x52: {  	v24 =	vadd.f32 $1.000000000e+00, v20;
	v17 =	vcvt.s32.f32 v8;
	v23 =	vadd.f32 $1.000000000e+00, v19  }
.Ltmp0:
0x53: {  	v22 =	vmul.f32 $1.612903180e-02, v22;
	v26 =	vadd.f32 $1.000000000e+00, v18;
	v25 =	vadd.f32 $1.000000000e+00, v16;
	(pc) =	sbr.rel @p0 .LBB2_2-.Ltmp0, $4  }
0x54: {  	v28 =	vadd.f32 $1.000000000e+00, v17;
	v23 =	vmul.f32 $1.612903180e-02, v23;
	v27 =	vadd.f32 $1.000000000e+00, v15  }
0x55: {  	vm0 =	vgt.f32 v4, v22;
	v22 =	vmul.f32 $1.612903180e-02, v24;
	v25 =	vmul.f32 $1.612903180e-02, v25  }
0x56: {  	v24 =	vmul.f32 $1.612903180e-02, v26;
	vm1 =	vgt.f32 v1, v23;
	v23 =	vmul.f32 $1.612903180e-02, v27  }
0x57: {  	s12 =	sadd.s32 $0x1, s12;
	v21 =	vmul.f32 $1.612903180e-02, v21;
	vm2 =	vgt.f32 v2, v22;
	v22 =	vmul.f32 $1.612903180e-02, v28  }
0x58: {  	v19 =	vmul.f32 $1.612903180e-02, v19;
	v20 =	vmul.f32 $1.612903180e-02, v20  }
0x59: {  	vm3 =	vgt.f32 v5, v25;
	v16 =	vmul.f32 $1.612903180e-02, v16;
	v18 =	vmul.f32 $1.612903180e-02, v18  }
0x5a: {  	vm4 =	vgt.f32 v3, v24;
	v15 =	vmul.f32 $1.612903180e-02, v15;
	vm5 =	vgt.f32 v6, v23  }
0x5b: {  	v17 =	vmul.f32 $1.612903180e-02, v17;
	v58 =	vsel vm0, $0x2, v0;
	v59 =	vsel vm1, $0x2, v0  }
0x5c: {  	v60 =	vsel vm2, $0x2, v0;
	vm8 =	vgt.f32 v7, v22;
	v25 =	vsel vm3, $0x2, v0  }
0x5d: {  	v26 =	vsel vm4, $0x2, v0;
	vm9 =	vgt.f32 v4, v21;
	v61 =	vsel vm5, $0x2, v0  }
0x5e: {  	v62 =	vsel vm8, $0x2, v0;
	vm10 =	vgt.f32 v1, v19;
	v1 =	vnsel vm9, $0x0, v58  }
0x5f: {  	vm11 =	vgt.f32 v2, v20;
	v2 =	vnsel vm10, $0x0, v59;
	v1 =	vadd.s32 v14, v1  }
0x60: {  	vm12 =	vgt.f32 v5, v16;
	v63 =	vnsel vm11, $0x0, v60;
	[tilespmem:s10+$0x4000] =	vst v1;
	v1 =	vadd.s32 v13, v2  }
0x61: {  	vm13 =	vgt.f32 v3, v18;
	v2 =	vnsel vm12, $0x0, v25;
	[tilespmem:s10+$0x4080] =	vst v1;
	v1 =	vadd.s32 v12, v63  }
0x62: {  	vm14 =	vgt.f32 v6, v15;
	v3 =	vnsel vm13, $0x0, v26;
	[tilespmem:s10+$0x4100] =	vst v1;
	v1 =	vadd.s32 v11, v2  }
0x63: {  	vm15 =	vgt.f32 v7, v17;
	v2 =	vnsel vm14, $0x0, v61;
	[tilespmem:s10+$0x4180] =	vst v1;
	v1 =	vadd.s32 v10, v3  }
0x64: {  	s9 =	sadd.s32 $0x1, s9;
	v3 =	vnsel vm15, $0x0, v62;
	[tilespmem:s10+$0x4200] =	vst v1;
	v1 =	vadd.s32 v9, v2  }
0x65: {  	p0 =	sne.s32 s9, s5;
	[tilespmem:s10+$0x4280] =	vst v1;
	v1 =	vadd.s32 v8, v3  }
.Ltmp1:
0x66: {  	[tilespmem:s10+$0x4300] =	vst v1;
	(pc) =	sbr.rel @p0 .LBB2_1-.Ltmp1, $4  }
0x67: {  	[hbm4b:s4+s2] =	stream.linear.scatter [tilespmem:s7], [sflag:$0x2], $0x4000, $0x38;
	[tilespmem:$0x8000] =	vst v63  }
0x68: {  	_ =	swait.ge [sflag:s8], $0x4000  }
0x69: {  	[sflag:s8] =	ssyncset.done $0x0  }
0x6a: {  	[sflag:s8] =	ssyncadd.s32 $0xFFFFC000  }
0x6b: {  	_ =	sfence.sel $0x180000  }
0x6c: {  	[bflag:$0x0] =	sbarrier.arrive $0xFFFF  }
0x6d: {  	p0 =	sne.s32 s1, $0x0;
	_ =	strace $0x90000047  }
0x6e: {  	s0 =	sadd.s32 @!p0 $0x100000, s0;
	[bflag:$0x2] =	sbarrier.arrive $0xFFFF  }
0x6f: {  	[sflag:s0] =	ssyncadd.tile.s32 @!p0 $0x1;
	_ =	shalt  }
.Lfunc_end2:
_tile_overlayer_lowered:
.L_overlay_start_2:
0x70: {  	(tag) =	ssettag $0x2  }
0x71: {  	s0 =	rddreg [dreg:$0x0];
	s2 =	stileid.u32  }
0x72: {  	s1 =	rddreg [dreg:$0x1];
	p0 =	sne.s32 s2, $0x0  }
0x73: {  	s3 =	rddreg [dreg:$0x2];
	[bflag:$0x3] =	sbarrier.arrive $0xFFFF;
	s2 =	simm.s32 @!p0 $0x1C03  }
0x74: {  	[timem:s3], [sflag:s2] =	dma.local @!p0 [hbm:s0], s1  }
0x75: {  	s0 =	simm.s32 @!p0 $0x3  }
0x76: {  	_ =	swait.ge @!p0 [sflag:s0], s1  }
0x77: {  	s1 =	ssub.s32 @!p0 $0x0, s1;
	[sflag:s0] =	ssyncset.done @!p0 $0x0  }
0x78: {  	[sflag:s0] =	ssyncadd.s32 @!p0 s1  }
0x79: {  	[bflag:$0x3] =	sbarrier.arrive $0xFFFF  }
0x7a: {  	_ =	shalt  }

</sc_bundles>
